<compile_context>
chip_gen: v7x
topology: tpu7x:2x2x1
jax: 0.10.2.dev20260603
libtpu: 0.0.44.dev20260713+nightly
codegen_flags: <defaults>
</compile_context>

<pallas_src>
import functools

import jax
import jax.numpy as jnp
from jax import lax
from jax.experimental import pallas as pl
from jax.experimental.pallas import tpu as pltpu
from jax.experimental.pallas import tpu_sc as plsc

N_POSITIONS = 512
N_EMBD = 128
CHUNK = 128
NBUF = 4


@functools.lru_cache(maxsize=None)
def _build(B, D):
    info = plsc.get_sparse_core_info()
    nc, ns = info.num_cores, info.num_subcores
    nw = nc * ns
    b_per_w = B // nw
    n_chunks = b_per_w // CHUNK
    assert b_per_w * nw == B and n_chunks * CHUNK == b_per_w
    assert n_chunks % NBUF == 0

    mesh = plsc.VectorSubcoreMesh(core_axis_name="c", subcore_axis_name="s")

    @functools.partial(
        pl.kernel,
        mesh=mesh,
        out_type=jax.ShapeDtypeStruct((B, D), jnp.float32),
        scratch_types=[
            pltpu.VMEM((n_chunks, CHUNK), jnp.int32),
            pltpu.VMEM((NBUF, CHUNK, D), jnp.float32),
            pltpu.VMEM_SHARED((N_POSITIONS, D), jnp.float32),
        ]
        + [pltpu.SemaphoreType.DMA] * (2 * NBUF),
    )
    def gather_kernel(idx_hbm, table_hbm, out_hbm, idx_v, rows_v, table_sp, *sems):
        gsem, ssem = sems[:NBUF], sems[NBUF:]
        sid = lax.axis_index("s")
        wid = sid * nc + lax.axis_index("c")

        @pl.when(sid == 0)
        def _():
            pltpu.sync_copy(table_hbm, table_sp)

        pltpu.sync_copy(idx_hbm.at[wid], idx_v)
        plsc.subcore_barrier()
        base = wid * b_per_w

        for b in range(NBUF):
            pltpu.async_copy(table_sp.at[idx_v.at[b]], rows_v.at[b], gsem[b])

        def outer(i, carry):
            g0 = i * NBUF
            for b in range(NBUF):
                pltpu.make_async_copy(
                    table_sp.at[pl.ds(0, CHUNK)], rows_v.at[b], gsem[b]
                ).wait()
                pltpu.async_copy(
                    rows_v.at[b],
                    out_hbm.at[pl.ds(base + (g0 + b) * CHUNK, CHUNK)],
                    ssem[b],
                )
            for b in range(NBUF):
                pltpu.make_async_copy(
                    rows_v.at[b], out_hbm.at[pl.ds(base, CHUNK)], ssem[b]
                ).wait()
                ng = g0 + NBUF + b

                @pl.when(ng < n_chunks)
                def _():
                    pltpu.async_copy(
                        table_sp.at[idx_v.at[ng]], rows_v.at[b], gsem[b]
                    )

            return carry

        lax.fori_loop(0, n_chunks // NBUF, outer, 0)

    return gather_kernel, nw, n_chunks


def kernel(position_ids, pe):
    bsz, seq = position_ids.shape
    B = bsz * seq
    D = pe.shape[1]
    fn, nw, n_chunks = _build(B, D)
    ids = position_ids.reshape(nw, n_chunks, CHUNK)
    out = fn(ids, pe)
    return out.reshape(bsz, seq, D)

# --- scband reference (transcript-rebuilt; emitter-appended) ---
"""Pipeline reference for scband-sinusoidal-position-embeddings-11295763989070 (READ-ONLY COPY).

The authoritative reference and input builder live on the scoring server;
editing this copy changes nothing except your own understanding.
"""

import jax, jax.numpy as jnp
import numpy as np

N_POSITIONS = 512
N_EMBD = 128


def _make_pe():
    position = np.arange(N_POSITIONS, dtype=np.float32)[:, None]
    div_term = np.exp(np.arange(0, N_EMBD, 2, dtype=np.float32) * -(np.log(10000.0) / N_EMBD))
    pe = np.zeros((N_POSITIONS, N_EMBD), dtype=np.float32)
    pe[:, 0::2] = np.sin(position * div_term)
    pe[:, 1::2] = np.cos(position * div_term)
    return jnp.asarray(pe)


def setup_inputs(seed: int = 0):
    key = jax.random.key(seed)
    position_ids = jax.random.randint(key, (4096, 200), 0, N_POSITIONS, dtype=jnp.int32)
    return {"position_ids": position_ids, "pe": _make_pe()}


def reference(position_ids, pe):
    # nn.Embedding lookup == row gather from the frozen sinusoidal table
    return jnp.take(pe, position_ids, axis=0)

if __name__ == "__main__":
    import jax
    _d = setup_inputs()
    print(jax.jit(kernel)(*tuple(_d.values())))

</pallas_src>

<mosaic_0001>
#map = affine_map<(d0, d1) -> (0, 0, 0)>
#map1 = affine_map<(d0, d1) -> (0, 0)>
module attributes {stable_mosaic.version = 14 : i64} {
  func.func @gather_kernel(%arg0: i32, %arg1: i32, %arg2: memref<32x200x128xi32, #tpu.memory_space<hbm>>, %arg3: memref<512x128xf32, #tpu.memory_space<hbm>>, %arg4: memref<819200x128xf32, #tpu.memory_space<hbm>>, %arg5: memref<200x128xi32, #tpu.memory_space<vmem>>, %arg6: memref<4x128x128xf32, #tpu.memory_space<vmem>>, %arg7: memref<512x128xf32, #tpu.memory_space<vmem_shared>>, %arg8: memref<!tpu.dma_semaphore, #tpu.memory_space<semaphore_mem>>, %arg9: memref<!tpu.dma_semaphore, #tpu.memory_space<semaphore_mem>>, %arg10: memref<!tpu.dma_semaphore, #tpu.memory_space<semaphore_mem>>, %arg11: memref<!tpu.dma_semaphore, #tpu.memory_space<semaphore_mem>>, %arg12: memref<!tpu.dma_semaphore, #tpu.memory_space<semaphore_mem>>, %arg13: memref<!tpu.dma_semaphore, #tpu.memory_space<semaphore_mem>>, %arg14: memref<!tpu.dma_semaphore, #tpu.memory_space<semaphore_mem>>, %arg15: memref<!tpu.dma_semaphore, #tpu.memory_space<semaphore_mem>>) attributes {dimension_semantics = [#tpu.dimension_semantics<core_parallel>, #tpu.dimension_semantics<subcore_parallel>], iteration_bounds = array<i64: 2, 16>, scalar_prefetch = 0 : i64, scratch_operands = 11 : i64, tpu.core_type = #tpu.core_type<sc_vector_subcore>, window_params = [{transform_indices = #map}, {transform_indices = #map1}, {transform_indices = #map1}]} {
    %mul3A = arith.constant 2 : i32
    %mul3A_0 = arith.muli %arg1, %mul3A : i32
    %add3A = arith.addi %mul3A_0, %arg0 : i32
    %eq3A = arith.constant 0 : i32
    %eq3A_1 = arith.cmpi eq, %arg1, %eq3A : i32
    %convert_element_type3A = arith.extui %eq3A_1 : i1 to i32
    %cond3A = arith.constant 0 : i32
    %cond3A_2 = arith.cmpi ne, %convert_element_type3A, %cond3A : i32
    scf.if %cond3A_2 {
      "tpu.region"() ({
        %run_scoped3A = tpu.sem_alloc : memref<!tpu.dma_semaphore, #tpu.memory_space<semaphore_mem>>
        tpu.enqueue_dma source(%arg3 : memref<512x128xf32, #tpu.memory_space<hbm>>) target(%arg7 : memref<512x128xf32, #tpu.memory_space<vmem_shared>>) target_semaphore(%run_scoped3A : memref<!tpu.dma_semaphore, #tpu.memory_space<semaphore_mem>>)
        tpu.wait_dma2 semaphore(%run_scoped3A : memref<!tpu.dma_semaphore, #tpu.memory_space<semaphore_mem>>) src(%arg3 : memref<512x128xf32, #tpu.memory_space<hbm>>) dst(%arg7 : memref<512x128xf32, #tpu.memory_space<vmem_shared>>)
        tpu.yield
      }) : () -> ()
    } else {
    }
    "tpu.region"() ({
      %run_scoped3A = tpu.sem_alloc : memref<!tpu.dma_semaphore, #tpu.memory_space<semaphore_mem>>
      %dma_start3A_57 = arith.constant 0 : i32
      %dma_start3A_58 = arith.constant 0 : i32
      %dma_start3A_59 = tpu.memref_slice %arg2[%add3A, %dma_start3A_57, %dma_start3A_58] : memref<32x200x128xi32, #tpu.memory_space<hbm>> -> memref<1x200x128xi32, #tpu.memory_space<hbm>>
      %dma_start3A_60 = tpu.memref_squeeze %dma_start3A_59 : memref<1x200x128xi32, #tpu.memory_space<hbm>> -> memref<200x128xi32, #tpu.memory_space<hbm>>
      %dma_start3A_61 = arith.constant 0 : i32
      %dma_start3A_62 = arith.constant 0 : i32
      %dma_start3A_63 = tpu.memref_slice %arg2[%add3A, %dma_start3A_61, %dma_start3A_62] : memref<32x200x128xi32, #tpu.memory_space<hbm>> -> memref<1x200x128xi32, #tpu.memory_space<hbm>>
      %dma_start3A_64 = tpu.memref_squeeze %dma_start3A_63 : memref<1x200x128xi32, #tpu.memory_space<hbm>> -> memref<200x128xi32, #tpu.memory_space<hbm>>
      tpu.enqueue_dma source(%dma_start3A_64 : memref<200x128xi32, #tpu.memory_space<hbm>>) target(%arg5 : memref<200x128xi32, #tpu.memory_space<vmem>>) target_semaphore(%run_scoped3A : memref<!tpu.dma_semaphore, #tpu.memory_space<semaphore_mem>>)
      %dma_wait3A = arith.constant 0 : i32
      %dma_wait3A_65 = arith.constant 0 : i32
      %dma_wait3A_66 = tpu.memref_slice %arg2[%add3A, %dma_wait3A, %dma_wait3A_65] : memref<32x200x128xi32, #tpu.memory_space<hbm>> -> memref<1x200x128xi32, #tpu.memory_space<hbm>>
      %dma_wait3A_67 = tpu.memref_squeeze %dma_wait3A_66 : memref<1x200x128xi32, #tpu.memory_space<hbm>> -> memref<200x128xi32, #tpu.memory_space<hbm>>
      %dma_wait3A_68 = arith.constant 0 : i32
      %dma_wait3A_69 = arith.constant 0 : i32
      %dma_wait3A_70 = tpu.memref_slice %arg2[%add3A, %dma_wait3A_68, %dma_wait3A_69] : memref<32x200x128xi32, #tpu.memory_space<hbm>> -> memref<1x200x128xi32, #tpu.memory_space<hbm>>
      %dma_wait3A_71 = tpu.memref_squeeze %dma_wait3A_70 : memref<1x200x128xi32, #tpu.memory_space<hbm>> -> memref<200x128xi32, #tpu.memory_space<hbm>>
      tpu.wait_dma2 semaphore(%run_scoped3A : memref<!tpu.dma_semaphore, #tpu.memory_space<semaphore_mem>>) src(%dma_wait3A_71 : memref<200x128xi32, #tpu.memory_space<hbm>>) dst(%arg5 : memref<200x128xi32, #tpu.memory_space<vmem>>)
      tpu.yield
    }) : () -> ()
    %barrier3A = arith.constant 0 : index
    tpu.barrier barrier_id(%barrier3A)
    %mul3A_3 = arith.constant 25600 : i32
    %mul3A_4 = arith.muli %add3A, %mul3A_3 : i32
    %dma_start3A = arith.constant 0 : i32
    %dma_start3A_5 = arith.constant 0 : i32
    %dma_start3A_6 = arith.constant 0 : i32
    %dma_start3A_7 = arith.constant 0 : i32
    %dma_start3A_8 = tpu.memref_slice %arg6[%dma_start3A_5, %dma_start3A_6, %dma_start3A_7] : memref<4x128x128xf32, #tpu.memory_space<vmem>> -> memref<1x128x128xf32, #tpu.memory_space<vmem>>
    %dma_start3A_9 = tpu.memref_squeeze %dma_start3A_8 : memref<1x128x128xf32, #tpu.memory_space<vmem>> -> memref<128x128xf32, #tpu.memory_space<vmem>>
    %dma_start3A_10 = arith.constant 0 : i32
    %dma_start3A_11 = tpu.memref_slice %arg5[%dma_start3A, %dma_start3A_10] : memref<200x128xi32, #tpu.memory_space<vmem>> -> memref<1x128xi32, #tpu.memory_space<vmem>>
    %dma_start3A_12 = tpu.memref_squeeze %dma_start3A_11 : memref<1x128xi32, #tpu.memory_space<vmem>> -> memref<128xi32, #tpu.memory_space<vmem>>
    %dma_start3A_13 = arith.constant 0 : i32
    %dma_start3A_14 = arith.constant 0 : i32
    %dma_start3A_15 = tpu.memref_slice %arg7[%dma_start3A_13, %dma_start3A_14] : memref<512x128xf32, #tpu.memory_space<vmem_shared>> -> memref<512x128xf32, #tpu.memory_space<vmem_shared>>
    tpu.enqueue_indirect_dma source(%dma_start3A_15 : memref<512x128xf32, #tpu.memory_space<vmem_shared>>) target(%dma_start3A_9 : memref<128x128xf32, #tpu.memory_space<vmem>>) offsets(%dma_start3A_12 : memref<128xi32, #tpu.memory_space<vmem>>) semaphore(%arg8 : memref<!tpu.dma_semaphore, #tpu.memory_space<semaphore_mem>>)
    %dma_start3A_16 = arith.constant 1 : i32
    %dma_start3A_17 = arith.constant 1 : i32
    %dma_start3A_18 = arith.constant 0 : i32
    %dma_start3A_19 = arith.constant 0 : i32
    %dma_start3A_20 = tpu.memref_slice %arg6[%dma_start3A_17, %dma_start3A_18, %dma_start3A_19] : memref<4x128x128xf32, #tpu.memory_space<vmem>> -> memref<1x128x128xf32, #tpu.memory_space<vmem>>
    %dma_start3A_21 = tpu.memref_squeeze %dma_start3A_20 : memref<1x128x128xf32, #tpu.memory_space<vmem>> -> memref<128x128xf32, #tpu.memory_space<vmem>>
    %dma_start3A_22 = arith.constant 0 : i32
    %dma_start3A_23 = tpu.memref_slice %arg5[%dma_start3A_16, %dma_start3A_22] : memref<200x128xi32, #tpu.memory_space<vmem>> -> memref<1x128xi32, #tpu.memory_space<vmem>>
    %dma_start3A_24 = tpu.memref_squeeze %dma_start3A_23 : memref<1x128xi32, #tpu.memory_space<vmem>> -> memref<128xi32, #tpu.memory_space<vmem>>
    %dma_start3A_25 = arith.constant 0 : i32
    %dma_start3A_26 = arith.constant 0 : i32
    %dma_start3A_27 = tpu.memref_slice %arg7[%dma_start3A_25, %dma_start3A_26] : memref<512x128xf32, #tpu.memory_space<vmem_shared>> -> memref<512x128xf32, #tpu.memory_space<vmem_shared>>
    tpu.enqueue_indirect_dma source(%dma_start3A_27 : memref<512x128xf32, #tpu.memory_space<vmem_shared>>) target(%dma_start3A_21 : memref<128x128xf32, #tpu.memory_space<vmem>>) offsets(%dma_start3A_24 : memref<128xi32, #tpu.memory_space<vmem>>) semaphore(%arg9 : memref<!tpu.dma_semaphore, #tpu.memory_space<semaphore_mem>>)
    %dma_start3A_28 = arith.constant 2 : i32
    %dma_start3A_29 = arith.constant 2 : i32
    %dma_start3A_30 = arith.constant 0 : i32
    %dma_start3A_31 = arith.constant 0 : i32
    %dma_start3A_32 = tpu.memref_slice %arg6[%dma_start3A_29, %dma_start3A_30, %dma_start3A_31] : memref<4x128x128xf32, #tpu.memory_space<vmem>> -> memref<1x128x128xf32, #tpu.memory_space<vmem>>
    %dma_start3A_33 = tpu.memref_squeeze %dma_start3A_32 : memref<1x128x128xf32, #tpu.memory_space<vmem>> -> memref<128x128xf32, #tpu.memory_space<vmem>>
    %dma_start3A_34 = arith.constant 0 : i32
    %dma_start3A_35 = tpu.memref_slice %arg5[%dma_start3A_28, %dma_start3A_34] : memref<200x128xi32, #tpu.memory_space<vmem>> -> memref<1x128xi32, #tpu.memory_space<vmem>>
    %dma_start3A_36 = tpu.memref_squeeze %dma_start3A_35 : memref<1x128xi32, #tpu.memory_space<vmem>> -> memref<128xi32, #tpu.memory_space<vmem>>
    %dma_start3A_37 = arith.constant 0 : i32
    %dma_start3A_38 = arith.constant 0 : i32
    %dma_start3A_39 = tpu.memref_slice %arg7[%dma_start3A_37, %dma_start3A_38] : memref<512x128xf32, #tpu.memory_space<vmem_shared>> -> memref<512x128xf32, #tpu.memory_space<vmem_shared>>
    tpu.enqueue_indirect_dma source(%dma_start3A_39 : memref<512x128xf32, #tpu.memory_space<vmem_shared>>) target(%dma_start3A_33 : memref<128x128xf32, #tpu.memory_space<vmem>>) offsets(%dma_start3A_36 : memref<128xi32, #tpu.memory_space<vmem>>) semaphore(%arg10 : memref<!tpu.dma_semaphore, #tpu.memory_space<semaphore_mem>>)
    %dma_start3A_40 = arith.constant 3 : i32
    %dma_start3A_41 = arith.constant 3 : i32
    %dma_start3A_42 = arith.constant 0 : i32
    %dma_start3A_43 = arith.constant 0 : i32
    %dma_start3A_44 = tpu.memref_slice %arg6[%dma_start3A_41, %dma_start3A_42, %dma_start3A_43] : memref<4x128x128xf32, #tpu.memory_space<vmem>> -> memref<1x128x128xf32, #tpu.memory_space<vmem>>
    %dma_start3A_45 = tpu.memref_squeeze %dma_start3A_44 : memref<1x128x128xf32, #tpu.memory_space<vmem>> -> memref<128x128xf32, #tpu.memory_space<vmem>>
    %dma_start3A_46 = arith.constant 0 : i32
    %dma_start3A_47 = tpu.memref_slice %arg5[%dma_start3A_40, %dma_start3A_46] : memref<200x128xi32, #tpu.memory_space<vmem>> -> memref<1x128xi32, #tpu.memory_space<vmem>>
    %dma_start3A_48 = tpu.memref_squeeze %dma_start3A_47 : memref<1x128xi32, #tpu.memory_space<vmem>> -> memref<128xi32, #tpu.memory_space<vmem>>
    %dma_start3A_49 = arith.constant 0 : i32
    %dma_start3A_50 = arith.constant 0 : i32
    %dma_start3A_51 = tpu.memref_slice %arg7[%dma_start3A_49, %dma_start3A_50] : memref<512x128xf32, #tpu.memory_space<vmem_shared>> -> memref<512x128xf32, #tpu.memory_space<vmem_shared>>
    tpu.enqueue_indirect_dma source(%dma_start3A_51 : memref<512x128xf32, #tpu.memory_space<vmem_shared>>) target(%dma_start3A_45 : memref<128x128xf32, #tpu.memory_space<vmem>>) offsets(%dma_start3A_48 : memref<128xi32, #tpu.memory_space<vmem>>) semaphore(%arg11 : memref<!tpu.dma_semaphore, #tpu.memory_space<semaphore_mem>>)
    %scan3A = arith.constant 0 : i32
    %scan3A_52 = arith.constant 0 : i32
    %scan3A_53 = arith.constant 50 : i32
    %scan3A_54 = arith.addi %scan3A_52, %scan3A_53 : i32
    %scan3A_55 = arith.constant 1 : i32
    scf.for %scan3A_57 = %scan3A_52 to %scan3A_54 step %scan3A_55  : i32 {
      %mul3A_58 = arith.constant 4 : i32
      %mul3A_59 = arith.muli %scan3A_57, %mul3A_58 : i32
      %dma_wait3A = arith.constant 0 : i32
      %dma_wait3A_60 = arith.constant 0 : i32
      %dma_wait3A_61 = arith.constant 0 : i32
      %dma_wait3A_62 = tpu.memref_slice %arg6[%dma_wait3A, %dma_wait3A_60, %dma_wait3A_61] : memref<4x128x128xf32, #tpu.memory_space<vmem>> -> memref<1x128x128xf32, #tpu.memory_space<vmem>>
      %dma_wait3A_63 = tpu.memref_squeeze %dma_wait3A_62 : memref<1x128x128xf32, #tpu.memory_space<vmem>> -> memref<128x128xf32, #tpu.memory_space<vmem>>
      %dma_wait3A_64 = arith.constant 0 : i32
      %dma_wait3A_65 = arith.constant 0 : i32
      %dma_wait3A_66 = tpu.memref_slice %arg7[%dma_wait3A_64, %dma_wait3A_65] : memref<512x128xf32, #tpu.memory_space<vmem_shared>> -> memref<128x128xf32, #tpu.memory_space<vmem_shared>>
      %dma_wait3A_67 = arith.constant 0 : i32
      %dma_wait3A_68 = arith.constant 0 : i32
      %dma_wait3A_69 = tpu.memref_slice %arg6[%dma_wait3A, %dma_wait3A_67, %dma_wait3A_68] : memref<4x128x128xf32, #tpu.memory_space<vmem>> -> memref<1x128x128xf32, #tpu.memory_space<vmem>>
      %dma_wait3A_70 = tpu.memref_squeeze %dma_wait3A_69 : memref<1x128x128xf32, #tpu.memory_space<vmem>> -> memref<128x128xf32, #tpu.memory_space<vmem>>
      %dma_wait3A_71 = arith.constant 0 : i32
      %dma_wait3A_72 = arith.constant 0 : i32
      %dma_wait3A_73 = tpu.memref_slice %arg7[%dma_wait3A_71, %dma_wait3A_72] : memref<512x128xf32, #tpu.memory_space<vmem_shared>> -> memref<128x128xf32, #tpu.memory_space<vmem_shared>>
      tpu.wait_dma2 semaphore(%arg8 : memref<!tpu.dma_semaphore, #tpu.memory_space<semaphore_mem>>) src(%dma_wait3A_73 : memref<128x128xf32, #tpu.memory_space<vmem_shared>>) dst(%dma_wait3A_70 : memref<128x128xf32, #tpu.memory_space<vmem>>)
      %add3A_74 = arith.constant 0 : i32
      %add3A_75 = arith.addi %mul3A_59, %add3A_74 : i32
      %mul3A_76 = arith.constant 128 : i32
      %mul3A_77 = arith.muli %add3A_75, %mul3A_76 : i32
      %add3A_78 = arith.addi %mul3A_4, %mul3A_77 : i32
      %dma_start3A_79 = arith.constant 0 : i32
      %dma_start3A_80 = arith.constant 0 : i32
      %dma_start3A_81 = arith.constant 0 : i32
      %dma_start3A_82 = tpu.memref_slice %arg6[%dma_start3A_79, %dma_start3A_80, %dma_start3A_81] : memref<4x128x128xf32, #tpu.memory_space<vmem>> -> memref<1x128x128xf32, #tpu.memory_space<vmem>>
      %dma_start3A_83 = tpu.memref_squeeze %dma_start3A_82 : memref<1x128x128xf32, #tpu.memory_space<vmem>> -> memref<128x128xf32, #tpu.memory_space<vmem>>
      %dma_start3A_84 = arith.constant 0 : i32
      %dma_start3A_85 = tpu.memref_slice %arg4[%add3A_78, %dma_start3A_84] : memref<819200x128xf32, #tpu.memory_space<hbm>> -> memref<128x128xf32, #tpu.memory_space<hbm>>
      %dma_start3A_86 = arith.constant 0 : i32
      %dma_start3A_87 = tpu.memref_slice %arg4[%add3A_78, %dma_start3A_86] : memref<819200x128xf32, #tpu.memory_space<hbm>> -> memref<128x128xf32, #tpu.memory_space<hbm>>
      %dma_start3A_88 = arith.constant 0 : i32
      %dma_start3A_89 = arith.constant 0 : i32
      %dma_start3A_90 = tpu.memref_slice %arg6[%dma_start3A_79, %dma_start3A_88, %dma_start3A_89] : memref<4x128x128xf32, #tpu.memory_space<vmem>> -> memref<1x128x128xf32, #tpu.memory_space<vmem>>
      %dma_start3A_91 = tpu.memref_squeeze %dma_start3A_90 : memref<1x128x128xf32, #tpu.memory_space<vmem>> -> memref<128x128xf32, #tpu.memory_space<vmem>>
      tpu.enqueue_dma source(%dma_start3A_91 : memref<128x128xf32, #tpu.memory_space<vmem>>) target(%dma_start3A_87 : memref<128x128xf32, #tpu.memory_space<hbm>>) target_semaphore(%arg12 : memref<!tpu.dma_semaphore, #tpu.memory_space<semaphore_mem>>)
      %dma_wait3A_92 = arith.constant 1 : i32
      %dma_wait3A_93 = arith.constant 0 : i32
      %dma_wait3A_94 = arith.constant 0 : i32
      %dma_wait3A_95 = tpu.memref_slice %arg6[%dma_wait3A_92, %dma_wait3A_93, %dma_wait3A_94] : memref<4x128x128xf32, #tpu.memory_space<vmem>> -> memref<1x128x128xf32, #tpu.memory_space<vmem>>
      %dma_wait3A_96 = tpu.memref_squeeze %dma_wait3A_95 : memref<1x128x128xf32, #tpu.memory_space<vmem>> -> memref<128x128xf32, #tpu.memory_space<vmem>>
      %dma_wait3A_97 = arith.constant 0 : i32
      %dma_wait3A_98 = arith.constant 0 : i32
      %dma_wait3A_99 = tpu.memref_slice %arg7[%dma_wait3A_97, %dma_wait3A_98] : memref<512x128xf32, #tpu.memory_space<vmem_shared>> -> memref<128x128xf32, #tpu.memory_space<vmem_shared>>
      %dma_wait3A_100 = arith.constant 0 : i32
      %dma_wait3A_101 = arith.constant 0 : i32
      %dma_wait3A_102 = tpu.memref_slice %arg6[%dma_wait3A_92, %dma_wait3A_100, %dma_wait3A_101] : memref<4x128x128xf32, #tpu.memory_space<vmem>> -> memref<1x128x128xf32, #tpu.memory_space<vmem>>
      %dma_wait3A_103 = tpu.memref_squeeze %dma_wait3A_102 : memref<1x128x128xf32, #tpu.memory_space<vmem>> -> memref<128x128xf32, #tpu.memory_space<vmem>>
      %dma_wait3A_104 = arith.constant 0 : i32
      %dma_wait3A_105 = arith.constant 0 : i32
      %dma_wait3A_106 = tpu.memref_slice %arg7[%dma_wait3A_104, %dma_wait3A_105] : memref<512x128xf32, #tpu.memory_space<vmem_shared>> -> memref<128x128xf32, #tpu.memory_space<vmem_shared>>
      tpu.wait_dma2 semaphore(%arg9 : memref<!tpu.dma_semaphore, #tpu.memory_space<semaphore_mem>>) src(%dma_wait3A_106 : memref<128x128xf32, #tpu.memory_space<vmem_shared>>) dst(%dma_wait3A_103 : memref<128x128xf32, #tpu.memory_space<vmem>>)
      %add3A_107 = arith.constant 1 : i32
      %add3A_108 = arith.addi %mul3A_59, %add3A_107 : i32
      %mul3A_109 = arith.constant 128 : i32
      %mul3A_110 = arith.muli %add3A_108, %mul3A_109 : i32
      %add3A_111 = arith.addi %mul3A_4, %mul3A_110 : i32
      %dma_start3A_112 = arith.constant 1 : i32
      %dma_start3A_113 = arith.constant 0 : i32
      %dma_start3A_114 = arith.constant 0 : i32
      %dma_start3A_115 = tpu.memref_slice %arg6[%dma_start3A_112, %dma_start3A_113, %dma_start3A_114] : memref<4x128x128xf32, #tpu.memory_space<vmem>> -> memref<1x128x128xf32, #tpu.memory_space<vmem>>
      %dma_start3A_116 = tpu.memref_squeeze %dma_start3A_115 : memref<1x128x128xf32, #tpu.memory_space<vmem>> -> memref<128x128xf32, #tpu.memory_space<vmem>>
      %dma_start3A_117 = arith.constant 0 : i32
      %dma_start3A_118 = tpu.memref_slice %arg4[%add3A_111, %dma_start3A_117] : memref<819200x128xf32, #tpu.memory_space<hbm>> -> memref<128x128xf32, #tpu.memory_space<hbm>>
      %dma_start3A_119 = arith.constant 0 : i32
      %dma_start3A_120 = tpu.memref_slice %arg4[%add3A_111, %dma_start3A_119] : memref<819200x128xf32, #tpu.memory_space<hbm>> -> memref<128x128xf32, #tpu.memory_space<hbm>>
      %dma_start3A_121 = arith.constant 0 : i32
      %dma_start3A_122 = arith.constant 0 : i32
      %dma_start3A_123 = tpu.memref_slice %arg6[%dma_start3A_112, %dma_start3A_121, %dma_start3A_122] : memref<4x128x128xf32, #tpu.memory_space<vmem>> -> memref<1x128x128xf32, #tpu.memory_space<vmem>>
      %dma_start3A_124 = tpu.memref_squeeze %dma_start3A_123 : memref<1x128x128xf32, #tpu.memory_space<vmem>> -> memref<128x128xf32, #tpu.memory_space<vmem>>
      tpu.enqueue_dma source(%dma_start3A_124 : memref<128x128xf32, #tpu.memory_space<vmem>>) target(%dma_start3A_120 : memref<128x128xf32, #tpu.memory_space<hbm>>) target_semaphore(%arg13 : memref<!tpu.dma_semaphore, #tpu.memory_space<semaphore_mem>>)
      %dma_wait3A_125 = arith.constant 2 : i32
      %dma_wait3A_126 = arith.constant 0 : i32
      %dma_wait3A_127 = arith.constant 0 : i32
      %dma_wait3A_128 = tpu.memref_slice %arg6[%dma_wait3A_125, %dma_wait3A_126, %dma_wait3A_127] : memref<4x128x128xf32, #tpu.memory_space<vmem>> -> memref<1x128x128xf32, #tpu.memory_space<vmem>>
      %dma_wait3A_129 = tpu.memref_squeeze %dma_wait3A_128 : memref<1x128x128xf32, #tpu.memory_space<vmem>> -> memref<128x128xf32, #tpu.memory_space<vmem>>
      %dma_wait3A_130 = arith.constant 0 : i32
      %dma_wait3A_131 = arith.constant 0 : i32
      %dma_wait3A_132 = tpu.memref_slice %arg7[%dma_wait3A_130, %dma_wait3A_131] : memref<512x128xf32, #tpu.memory_space<vmem_shared>> -> memref<128x128xf32, #tpu.memory_space<vmem_shared>>
      %dma_wait3A_133 = arith.constant 0 : i32
      %dma_wait3A_134 = arith.constant 0 : i32
      %dma_wait3A_135 = tpu.memref_slice %arg6[%dma_wait3A_125, %dma_wait3A_133, %dma_wait3A_134] : memref<4x128x128xf32, #tpu.memory_space<vmem>> -> memref<1x128x128xf32, #tpu.memory_space<vmem>>
      %dma_wait3A_136 = tpu.memref_squeeze %dma_wait3A_135 : memref<1x128x128xf32, #tpu.memory_space<vmem>> -> memref<128x128xf32, #tpu.memory_space<vmem>>
      %dma_wait3A_137 = arith.constant 0 : i32
      %dma_wait3A_138 = arith.constant 0 : i32
      %dma_wait3A_139 = tpu.memref_slice %arg7[%dma_wait3A_137, %dma_wait3A_138] : memref<512x128xf32, #tpu.memory_space<vmem_shared>> -> memref<128x128xf32, #tpu.memory_space<vmem_shared>>
      tpu.wait_dma2 semaphore(%arg10 : memref<!tpu.dma_semaphore, #tpu.memory_space<semaphore_mem>>) src(%dma_wait3A_139 : memref<128x128xf32, #tpu.memory_space<vmem_shared>>) dst(%dma_wait3A_136 : memref<128x128xf32, #tpu.memory_space<vmem>>)
      %add3A_140 = arith.constant 2 : i32
      %add3A_141 = arith.addi %mul3A_59, %add3A_140 : i32
      %mul3A_142 = arith.constant 128 : i32
      %mul3A_143 = arith.muli %add3A_141, %mul3A_142 : i32
      %add3A_144 = arith.addi %mul3A_4, %mul3A_143 : i32
      %dma_start3A_145 = arith.constant 2 : i32
      %dma_start3A_146 = arith.constant 0 : i32
      %dma_start3A_147 = arith.constant 0 : i32
      %dma_start3A_148 = tpu.memref_slice %arg6[%dma_start3A_145, %dma_start3A_146, %dma_start3A_147] : memref<4x128x128xf32, #tpu.memory_space<vmem>> -> memref<1x128x128xf32, #tpu.memory_space<vmem>>
      %dma_start3A_149 = tpu.memref_squeeze %dma_start3A_148 : memref<1x128x128xf32, #tpu.memory_space<vmem>> -> memref<128x128xf32, #tpu.memory_space<vmem>>
      %dma_start3A_150 = arith.constant 0 : i32
      %dma_start3A_151 = tpu.memref_slice %arg4[%add3A_144, %dma_start3A_150] : memref<819200x128xf32, #tpu.memory_space<hbm>> -> memref<128x128xf32, #tpu.memory_space<hbm>>
      %dma_start3A_152 = arith.constant 0 : i32
      %dma_start3A_153 = tpu.memref_slice %arg4[%add3A_144, %dma_start3A_152] : memref<819200x128xf32, #tpu.memory_space<hbm>> -> memref<128x128xf32, #tpu.memory_space<hbm>>
      %dma_start3A_154 = arith.constant 0 : i32
      %dma_start3A_155 = arith.constant 0 : i32
      %dma_start3A_156 = tpu.memref_slice %arg6[%dma_start3A_145, %dma_start3A_154, %dma_start3A_155] : memref<4x128x128xf32, #tpu.memory_space<vmem>> -> memref<1x128x128xf32, #tpu.memory_space<vmem>>
      %dma_start3A_157 = tpu.memref_squeeze %dma_start3A_156 : memref<1x128x128xf32, #tpu.memory_space<vmem>> -> memref<128x128xf32, #tpu.memory_space<vmem>>
      tpu.enqueue_dma source(%dma_start3A_157 : memref<128x128xf32, #tpu.memory_space<vmem>>) target(%dma_start3A_153 : memref<128x128xf32, #tpu.memory_space<hbm>>) target_semaphore(%arg14 : memref<!tpu.dma_semaphore, #tpu.memory_space<semaphore_mem>>)
      %dma_wait3A_158 = arith.constant 3 : i32
      %dma_wait3A_159 = arith.constant 0 : i32
      %dma_wait3A_160 = arith.constant 0 : i32
      %dma_wait3A_161 = tpu.memref_slice %arg6[%dma_wait3A_158, %dma_wait3A_159, %dma_wait3A_160] : memref<4x128x128xf32, #tpu.memory_space<vmem>> -> memref<1x128x128xf32, #tpu.memory_space<vmem>>
      %dma_wait3A_162 = tpu.memref_squeeze %dma_wait3A_161 : memref<1x128x128xf32, #tpu.memory_space<vmem>> -> memref<128x128xf32, #tpu.memory_space<vmem>>
      %dma_wait3A_163 = arith.constant 0 : i32
      %dma_wait3A_164 = arith.constant 0 : i32
      %dma_wait3A_165 = tpu.memref_slice %arg7[%dma_wait3A_163, %dma_wait3A_164] : memref<512x128xf32, #tpu.memory_space<vmem_shared>> -> memref<128x128xf32, #tpu.memory_space<vmem_shared>>
      %dma_wait3A_166 = arith.constant 0 : i32
      %dma_wait3A_167 = arith.constant 0 : i32
      %dma_wait3A_168 = tpu.memref_slice %arg6[%dma_wait3A_158, %dma_wait3A_166, %dma_wait3A_167] : memref<4x128x128xf32, #tpu.memory_space<vmem>> -> memref<1x128x128xf32, #tpu.memory_space<vmem>>
      %dma_wait3A_169 = tpu.memref_squeeze %dma_wait3A_168 : memref<1x128x128xf32, #tpu.memory_space<vmem>> -> memref<128x128xf32, #tpu.memory_space<vmem>>
      %dma_wait3A_170 = arith.constant 0 : i32
      %dma_wait3A_171 = arith.constant 0 : i32
      %dma_wait3A_172 = tpu.memref_slice %arg7[%dma_wait3A_170, %dma_wait3A_171] : memref<512x128xf32, #tpu.memory_space<vmem_shared>> -> memref<128x128xf32, #tpu.memory_space<vmem_shared>>
      tpu.wait_dma2 semaphore(%arg11 : memref<!tpu.dma_semaphore, #tpu.memory_space<semaphore_mem>>) src(%dma_wait3A_172 : memref<128x128xf32, #tpu.memory_space<vmem_shared>>) dst(%dma_wait3A_169 : memref<128x128xf32, #tpu.memory_space<vmem>>)
      %add3A_173 = arith.constant 3 : i32
      %add3A_174 = arith.addi %mul3A_59, %add3A_173 : i32
      %mul3A_175 = arith.constant 128 : i32
      %mul3A_176 = arith.muli %add3A_174, %mul3A_175 : i32
      %add3A_177 = arith.addi %mul3A_4, %mul3A_176 : i32
      %dma_start3A_178 = arith.constant 3 : i32
      %dma_start3A_179 = arith.constant 0 : i32
      %dma_start3A_180 = arith.constant 0 : i32
      %dma_start3A_181 = tpu.memref_slice %arg6[%dma_start3A_178, %dma_start3A_179, %dma_start3A_180] : memref<4x128x128xf32, #tpu.memory_space<vmem>> -> memref<1x128x128xf32, #tpu.memory_space<vmem>>
      %dma_start3A_182 = tpu.memref_squeeze %dma_start3A_181 : memref<1x128x128xf32, #tpu.memory_space<vmem>> -> memref<128x128xf32, #tpu.memory_space<vmem>>
      %dma_start3A_183 = arith.constant 0 : i32
      %dma_start3A_184 = tpu.memref_slice %arg4[%add3A_177, %dma_start3A_183] : memref<819200x128xf32, #tpu.memory_space<hbm>> -> memref<128x128xf32, #tpu.memory_space<hbm>>
      %dma_start3A_185 = arith.constant 0 : i32
      %dma_start3A_186 = tpu.memref_slice %arg4[%add3A_177, %dma_start3A_185] : memref<819200x128xf32, #tpu.memory_space<hbm>> -> memref<128x128xf32, #tpu.memory_space<hbm>>
      %dma_start3A_187 = arith.constant 0 : i32
      %dma_start3A_188 = arith.constant 0 : i32
      %dma_start3A_189 = tpu.memref_slice %arg6[%dma_start3A_178, %dma_start3A_187, %dma_start3A_188] : memref<4x128x128xf32, #tpu.memory_space<vmem>> -> memref<1x128x128xf32, #tpu.memory_space<vmem>>
      %dma_start3A_190 = tpu.memref_squeeze %dma_start3A_189 : memref<1x128x128xf32, #tpu.memory_space<vmem>> -> memref<128x128xf32, #tpu.memory_space<vmem>>
      tpu.enqueue_dma source(%dma_start3A_190 : memref<128x128xf32, #tpu.memory_space<vmem>>) target(%dma_start3A_186 : memref<128x128xf32, #tpu.memory_space<hbm>>) target_semaphore(%arg15 : memref<!tpu.dma_semaphore, #tpu.memory_space<semaphore_mem>>)
      %dma_wait3A_191 = arith.constant 0 : i32
      %dma_wait3A_192 = arith.constant 0 : i32
      %dma_wait3A_193 = arith.constant 0 : i32
      %dma_wait3A_194 = tpu.memref_slice %arg6[%dma_wait3A_191, %dma_wait3A_192, %dma_wait3A_193] : memref<4x128x128xf32, #tpu.memory_space<vmem>> -> memref<1x128x128xf32, #tpu.memory_space<vmem>>
      %dma_wait3A_195 = tpu.memref_squeeze %dma_wait3A_194 : memref<1x128x128xf32, #tpu.memory_space<vmem>> -> memref<128x128xf32, #tpu.memory_space<vmem>>
      %dma_wait3A_196 = arith.constant 0 : i32
      %dma_wait3A_197 = tpu.memref_slice %arg4[%mul3A_4, %dma_wait3A_196] : memref<819200x128xf32, #tpu.memory_space<hbm>> -> memref<128x128xf32, #tpu.memory_space<hbm>>
      %dma_wait3A_198 = arith.constant 0 : i32
      %dma_wait3A_199 = tpu.memref_slice %arg4[%mul3A_4, %dma_wait3A_198] : memref<819200x128xf32, #tpu.memory_space<hbm>> -> memref<128x128xf32, #tpu.memory_space<hbm>>
      %dma_wait3A_200 = arith.constant 0 : i32
      %dma_wait3A_201 = arith.constant 0 : i32
      %dma_wait3A_202 = tpu.memref_slice %arg6[%dma_wait3A_191, %dma_wait3A_200, %dma_wait3A_201] : memref<4x128x128xf32, #tpu.memory_space<vmem>> -> memref<1x128x128xf32, #tpu.memory_space<vmem>>
      %dma_wait3A_203 = tpu.memref_squeeze %dma_wait3A_202 : memref<1x128x128xf32, #tpu.memory_space<vmem>> -> memref<128x128xf32, #tpu.memory_space<vmem>>
      tpu.wait_dma2 semaphore(%arg12 : memref<!tpu.dma_semaphore, #tpu.memory_space<semaphore_mem>>) src(%dma_wait3A_203 : memref<128x128xf32, #tpu.memory_space<vmem>>) dst(%dma_wait3A_199 : memref<128x128xf32, #tpu.memory_space<hbm>>)
      %add3A_204 = arith.constant 4 : i32
      %add3A_205 = arith.addi %mul3A_59, %add3A_204 : i32
      %add3A_206 = arith.constant 0 : i32
      %add3A_207 = arith.addi %add3A_205, %add3A_206 : i32
      %lt3A = arith.constant 200 : i32
      %lt3A_208 = arith.cmpi slt, %add3A_207, %lt3A : i32
      %convert_element_type3A_209 = arith.extui %lt3A_208 : i1 to i32
      %cond3A_210 = arith.constant 0 : i32
      %cond3A_211 = arith.cmpi ne, %convert_element_type3A_209, %cond3A_210 : i32
      scf.if %cond3A_211 {
        %dma_start3A_278 = arith.constant 0 : i32
        %dma_start3A_279 = arith.constant 0 : i32
        %dma_start3A_280 = arith.constant 0 : i32
        %dma_start3A_281 = tpu.memref_slice %arg6[%dma_start3A_278, %dma_start3A_279, %dma_start3A_280] : memref<4x128x128xf32, #tpu.memory_space<vmem>> -> memref<1x128x128xf32, #tpu.memory_space<vmem>>
        %dma_start3A_282 = tpu.memref_squeeze %dma_start3A_281 : memref<1x128x128xf32, #tpu.memory_space<vmem>> -> memref<128x128xf32, #tpu.memory_space<vmem>>
        %dma_start3A_283 = arith.constant 0 : i32
        %dma_start3A_284 = tpu.memref_slice %arg5[%add3A_207, %dma_start3A_283] : memref<200x128xi32, #tpu.memory_space<vmem>> -> memref<1x128xi32, #tpu.memory_space<vmem>>
        %dma_start3A_285 = tpu.memref_squeeze %dma_start3A_284 : memref<1x128xi32, #tpu.memory_space<vmem>> -> memref<128xi32, #tpu.memory_space<vmem>>
        %dma_start3A_286 = arith.constant 0 : i32
        %dma_start3A_287 = arith.constant 0 : i32
        %dma_start3A_288 = tpu.memref_slice %arg7[%dma_start3A_286, %dma_start3A_287] : memref<512x128xf32, #tpu.memory_space<vmem_shared>> -> memref<512x128xf32, #tpu.memory_space<vmem_shared>>
        tpu.enqueue_indirect_dma source(%dma_start3A_288 : memref<512x128xf32, #tpu.memory_space<vmem_shared>>) target(%dma_start3A_282 : memref<128x128xf32, #tpu.memory_space<vmem>>) offsets(%dma_start3A_285 : memref<128xi32, #tpu.memory_space<vmem>>) semaphore(%arg8 : memref<!tpu.dma_semaphore, #tpu.memory_space<semaphore_mem>>)
      } else {
      }
      %dma_wait3A_212 = arith.constant 1 : i32
      %dma_wait3A_213 = arith.constant 0 : i32
      %dma_wait3A_214 = arith.constant 0 : i32
      %dma_wait3A_215 = tpu.memref_slice %arg6[%dma_wait3A_212, %dma_wait3A_213, %dma_wait3A_214] : memref<4x128x128xf32, #tpu.memory_space<vmem>> -> memref<1x128x128xf32, #tpu.memory_space<vmem>>
      %dma_wait3A_216 = tpu.memref_squeeze %dma_wait3A_215 : memref<1x128x128xf32, #tpu.memory_space<vmem>> -> memref<128x128xf32, #tpu.memory_space<vmem>>
      %dma_wait3A_217 = arith.constant 0 : i32
      %dma_wait3A_218 = tpu.memref_slice %arg4[%mul3A_4, %dma_wait3A_217] : memref<819200x128xf32, #tpu.memory_space<hbm>> -> memref<128x128xf32, #tpu.memory_space<hbm>>
      %dma_wait3A_219 = arith.constant 0 : i32
      %dma_wait3A_220 = tpu.memref_slice %arg4[%mul3A_4, %dma_wait3A_219] : memref<819200x128xf32, #tpu.memory_space<hbm>> -> memref<128x128xf32, #tpu.memory_space<hbm>>
      %dma_wait3A_221 = arith.constant 0 : i32
      %dma_wait3A_222 = arith.constant 0 : i32
      %dma_wait3A_223 = tpu.memref_slice %arg6[%dma_wait3A_212, %dma_wait3A_221, %dma_wait3A_222] : memref<4x128x128xf32, #tpu.memory_space<vmem>> -> memref<1x128x128xf32, #tpu.memory_space<vmem>>
      %dma_wait3A_224 = tpu.memref_squeeze %dma_wait3A_223 : memref<1x128x128xf32, #tpu.memory_space<vmem>> -> memref<128x128xf32, #tpu.memory_space<vmem>>
      tpu.wait_dma2 semaphore(%arg13 : memref<!tpu.dma_semaphore, #tpu.memory_space<semaphore_mem>>) src(%dma_wait3A_224 : memref<128x128xf32, #tpu.memory_space<vmem>>) dst(%dma_wait3A_220 : memref<128x128xf32, #tpu.memory_space<hbm>>)
      %add3A_225 = arith.constant 4 : i32
      %add3A_226 = arith.addi %mul3A_59, %add3A_225 : i32
      %add3A_227 = arith.constant 1 : i32
      %add3A_228 = arith.addi %add3A_226, %add3A_227 : i32
      %lt3A_229 = arith.constant 200 : i32
      %lt3A_230 = arith.cmpi slt, %add3A_228, %lt3A_229 : i32
      %convert_element_type3A_231 = arith.extui %lt3A_230 : i1 to i32
      %cond3A_232 = arith.constant 0 : i32
      %cond3A_233 = arith.cmpi ne, %convert_element_type3A_231, %cond3A_232 : i32
      scf.if %cond3A_233 {
        %dma_start3A_278 = arith.constant 1 : i32
        %dma_start3A_279 = arith.constant 0 : i32
        %dma_start3A_280 = arith.constant 0 : i32
        %dma_start3A_281 = tpu.memref_slice %arg6[%dma_start3A_278, %dma_start3A_279, %dma_start3A_280] : memref<4x128x128xf32, #tpu.memory_space<vmem>> -> memref<1x128x128xf32, #tpu.memory_space<vmem>>
        %dma_start3A_282 = tpu.memref_squeeze %dma_start3A_281 : memref<1x128x128xf32, #tpu.memory_space<vmem>> -> memref<128x128xf32, #tpu.memory_space<vmem>>
        %dma_start3A_283 = arith.constant 0 : i32
        %dma_start3A_284 = tpu.memref_slice %arg5[%add3A_228, %dma_start3A_283] : memref<200x128xi32, #tpu.memory_space<vmem>> -> memref<1x128xi32, #tpu.memory_space<vmem>>
        %dma_start3A_285 = tpu.memref_squeeze %dma_start3A_284 : memref<1x128xi32, #tpu.memory_space<vmem>> -> memref<128xi32, #tpu.memory_space<vmem>>
        %dma_start3A_286 = arith.constant 0 : i32
        %dma_start3A_287 = arith.constant 0 : i32
        %dma_start3A_288 = tpu.memref_slice %arg7[%dma_start3A_286, %dma_start3A_287] : memref<512x128xf32, #tpu.memory_space<vmem_shared>> -> memref<512x128xf32, #tpu.memory_space<vmem_shared>>
        tpu.enqueue_indirect_dma source(%dma_start3A_288 : memref<512x128xf32, #tpu.memory_space<vmem_shared>>) target(%dma_start3A_282 : memref<128x128xf32, #tpu.memory_space<vmem>>) offsets(%dma_start3A_285 : memref<128xi32, #tpu.memory_space<vmem>>) semaphore(%arg9 : memref<!tpu.dma_semaphore, #tpu.memory_space<semaphore_mem>>)
      } else {
      }
      %dma_wait3A_234 = arith.constant 2 : i32
      %dma_wait3A_235 = arith.constant 0 : i32
      %dma_wait3A_236 = arith.constant 0 : i32
      %dma_wait3A_237 = tpu.memref_slice %arg6[%dma_wait3A_234, %dma_wait3A_235, %dma_wait3A_236] : memref<4x128x128xf32, #tpu.memory_space<vmem>> -> memref<1x128x128xf32, #tpu.memory_space<vmem>>
      %dma_wait3A_238 = tpu.memref_squeeze %dma_wait3A_237 : memref<1x128x128xf32, #tpu.memory_space<vmem>> -> memref<128x128xf32, #tpu.memory_space<vmem>>
      %dma_wait3A_239 = arith.constant 0 : i32
      %dma_wait3A_240 = tpu.memref_slice %arg4[%mul3A_4, %dma_wait3A_239] : memref<819200x128xf32, #tpu.memory_space<hbm>> -> memref<128x128xf32, #tpu.memory_space<hbm>>
      %dma_wait3A_241 = arith.constant 0 : i32
      %dma_wait3A_242 = tpu.memref_slice %arg4[%mul3A_4, %dma_wait3A_241] : memref<819200x128xf32, #tpu.memory_space<hbm>> -> memref<128x128xf32, #tpu.memory_space<hbm>>
      %dma_wait3A_243 = arith.constant 0 : i32
      %dma_wait3A_244 = arith.constant 0 : i32
      %dma_wait3A_245 = tpu.memref_slice %arg6[%dma_wait3A_234, %dma_wait3A_243, %dma_wait3A_244] : memref<4x128x128xf32, #tpu.memory_space<vmem>> -> memref<1x128x128xf32, #tpu.memory_space<vmem>>
      %dma_wait3A_246 = tpu.memref_squeeze %dma_wait3A_245 : memref<1x128x128xf32, #tpu.memory_space<vmem>> -> memref<128x128xf32, #tpu.memory_space<vmem>>
      tpu.wait_dma2 semaphore(%arg14 : memref<!tpu.dma_semaphore, #tpu.memory_space<semaphore_mem>>) src(%dma_wait3A_246 : memref<128x128xf32, #tpu.memory_space<vmem>>) dst(%dma_wait3A_242 : memref<128x128xf32, #tpu.memory_space<hbm>>)
      %add3A_247 = arith.constant 4 : i32
      %add3A_248 = arith.addi %mul3A_59, %add3A_247 : i32
      %add3A_249 = arith.constant 2 : i32
      %add3A_250 = arith.addi %add3A_248, %add3A_249 : i32
      %lt3A_251 = arith.constant 200 : i32
      %lt3A_252 = arith.cmpi slt, %add3A_250, %lt3A_251 : i32
      %convert_element_type3A_253 = arith.extui %lt3A_252 : i1 to i32
      %cond3A_254 = arith.constant 0 : i32
      %cond3A_255 = arith.cmpi ne, %convert_element_type3A_253, %cond3A_254 : i32
      scf.if %cond3A_255 {
        %dma_start3A_278 = arith.constant 2 : i32
        %dma_start3A_279 = arith.constant 0 : i32
        %dma_start3A_280 = arith.constant 0 : i32
        %dma_start3A_281 = tpu.memref_slice %arg6[%dma_start3A_278, %dma_start3A_279, %dma_start3A_280] : memref<4x128x128xf32, #tpu.memory_space<vmem>> -> memref<1x128x128xf32, #tpu.memory_space<vmem>>
        %dma_start3A_282 = tpu.memref_squeeze %dma_start3A_281 : memref<1x128x128xf32, #tpu.memory_space<vmem>> -> memref<128x128xf32, #tpu.memory_space<vmem>>
        %dma_start3A_283 = arith.constant 0 : i32
        %dma_start3A_284 = tpu.memref_slice %arg5[%add3A_250, %dma_start3A_283] : memref<200x128xi32, #tpu.memory_space<vmem>> -> memref<1x128xi32, #tpu.memory_space<vmem>>
        %dma_start3A_285 = tpu.memref_squeeze %dma_start3A_284 : memref<1x128xi32, #tpu.memory_space<vmem>> -> memref<128xi32, #tpu.memory_space<vmem>>
        %dma_start3A_286 = arith.constant 0 : i32
        %dma_start3A_287 = arith.constant 0 : i32
        %dma_start3A_288 = tpu.memref_slice %arg7[%dma_start3A_286, %dma_start3A_287] : memref<512x128xf32, #tpu.memory_space<vmem_shared>> -> memref<512x128xf32, #tpu.memory_space<vmem_shared>>
        tpu.enqueue_indirect_dma source(%dma_start3A_288 : memref<512x128xf32, #tpu.memory_space<vmem_shared>>) target(%dma_start3A_282 : memref<128x128xf32, #tpu.memory_space<vmem>>) offsets(%dma_start3A_285 : memref<128xi32, #tpu.memory_space<vmem>>) semaphore(%arg10 : memref<!tpu.dma_semaphore, #tpu.memory_space<semaphore_mem>>)
      } else {
      }
      %dma_wait3A_256 = arith.constant 3 : i32
      %dma_wait3A_257 = arith.constant 0 : i32
      %dma_wait3A_258 = arith.constant 0 : i32
      %dma_wait3A_259 = tpu.memref_slice %arg6[%dma_wait3A_256, %dma_wait3A_257, %dma_wait3A_258] : memref<4x128x128xf32, #tpu.memory_space<vmem>> -> memref<1x128x128xf32, #tpu.memory_space<vmem>>
      %dma_wait3A_260 = tpu.memref_squeeze %dma_wait3A_259 : memref<1x128x128xf32, #tpu.memory_space<vmem>> -> memref<128x128xf32, #tpu.memory_space<vmem>>
      %dma_wait3A_261 = arith.constant 0 : i32
      %dma_wait3A_262 = tpu.memref_slice %arg4[%mul3A_4, %dma_wait3A_261] : memref<819200x128xf32, #tpu.memory_space<hbm>> -> memref<128x128xf32, #tpu.memory_space<hbm>>
      %dma_wait3A_263 = arith.constant 0 : i32
      %dma_wait3A_264 = tpu.memref_slice %arg4[%mul3A_4, %dma_wait3A_263] : memref<819200x128xf32, #tpu.memory_space<hbm>> -> memref<128x128xf32, #tpu.memory_space<hbm>>
      %dma_wait3A_265 = arith.constant 0 : i32
      %dma_wait3A_266 = arith.constant 0 : i32
      %dma_wait3A_267 = tpu.memref_slice %arg6[%dma_wait3A_256, %dma_wait3A_265, %dma_wait3A_266] : memref<4x128x128xf32, #tpu.memory_space<vmem>> -> memref<1x128x128xf32, #tpu.memory_space<vmem>>
      %dma_wait3A_268 = tpu.memref_squeeze %dma_wait3A_267 : memref<1x128x128xf32, #tpu.memory_space<vmem>> -> memref<128x128xf32, #tpu.memory_space<vmem>>
      tpu.wait_dma2 semaphore(%arg15 : memref<!tpu.dma_semaphore, #tpu.memory_space<semaphore_mem>>) src(%dma_wait3A_268 : memref<128x128xf32, #tpu.memory_space<vmem>>) dst(%dma_wait3A_264 : memref<128x128xf32, #tpu.memory_space<hbm>>)
      %add3A_269 = arith.constant 4 : i32
      %add3A_270 = arith.addi %mul3A_59, %add3A_269 : i32
      %add3A_271 = arith.constant 3 : i32
      %add3A_272 = arith.addi %add3A_270, %add3A_271 : i32
      %lt3A_273 = arith.constant 200 : i32
      %lt3A_274 = arith.cmpi slt, %add3A_272, %lt3A_273 : i32
      %convert_element_type3A_275 = arith.extui %lt3A_274 : i1 to i32
      %cond3A_276 = arith.constant 0 : i32
      %cond3A_277 = arith.cmpi ne, %convert_element_type3A_275, %cond3A_276 : i32
      scf.if %cond3A_277 {
        %dma_start3A_278 = arith.constant 3 : i32
        %dma_start3A_279 = arith.constant 0 : i32
        %dma_start3A_280 = arith.constant 0 : i32
        %dma_start3A_281 = tpu.memref_slice %arg6[%dma_start3A_278, %dma_start3A_279, %dma_start3A_280] : memref<4x128x128xf32, #tpu.memory_space<vmem>> -> memref<1x128x128xf32, #tpu.memory_space<vmem>>
        %dma_start3A_282 = tpu.memref_squeeze %dma_start3A_281 : memref<1x128x128xf32, #tpu.memory_space<vmem>> -> memref<128x128xf32, #tpu.memory_space<vmem>>
        %dma_start3A_283 = arith.constant 0 : i32
        %dma_start3A_284 = tpu.memref_slice %arg5[%add3A_272, %dma_start3A_283] : memref<200x128xi32, #tpu.memory_space<vmem>> -> memref<1x128xi32, #tpu.memory_space<vmem>>
        %dma_start3A_285 = tpu.memref_squeeze %dma_start3A_284 : memref<1x128xi32, #tpu.memory_space<vmem>> -> memref<128xi32, #tpu.memory_space<vmem>>
        %dma_start3A_286 = arith.constant 0 : i32
        %dma_start3A_287 = arith.constant 0 : i32
        %dma_start3A_288 = tpu.memref_slice %arg7[%dma_start3A_286, %dma_start3A_287] : memref<512x128xf32, #tpu.memory_space<vmem_shared>> -> memref<512x128xf32, #tpu.memory_space<vmem_shared>>
        tpu.enqueue_indirect_dma source(%dma_start3A_288 : memref<512x128xf32, #tpu.memory_space<vmem_shared>>) target(%dma_start3A_282 : memref<128x128xf32, #tpu.memory_space<vmem>>) offsets(%dma_start3A_285 : memref<128xi32, #tpu.memory_space<vmem>>) semaphore(%arg11 : memref<!tpu.dma_semaphore, #tpu.memory_space<semaphore_mem>>)
      } else {
      }
    }
    %scan3A_56 = arith.constant 50 : i32
    return
  }
}

</mosaic_0001>

<sc_bundles>
// kernel: kernel.3.cloned.1.call-start
scs
__scs_entry_jumppad:
0x0: {  	(pc) =	sbr.rel $0x88, $3  }
0x1: {  	(tag) =	ssettag $0x0;
	lr =	simm.s32 $0x1  }
0x2: {  	[smem:$0x3F9F] =	sst lr;
	_ =	strace $0xD0000000  }
0x3: {  	_ = 	snop  }
0x4: {  	_ = 	snop  }
0x5: {  	_ = 	snop  }
0x6: {  	_ = 	snop  }
0x7: {  	_ = 	snop  }
__scs_overlays_trampoline_lowered:
0x8: {  	[smem:$0x3FAE] =	sst s0  }
0x9: {  	[smem:$0x3FAF] =	sst s1  }
0xa: {  	[smem:$0x3FB0] =	sst s2  }
0xb: {  	[smem:$0x3FB1] =	sst s3  }
0xc: {  	[smem:$0x3FB2] =	sst s4  }
0xd: {  	[smem:$0x3FB3] =	sst s5  }
0xe: {  	[smem:$0x3FB4] =	sst s6  }
0xf: {  	[smem:$0x3FB5] =	sst s7  }
0x10: {  	[smem:$0x3FB6] =	sst s8  }
0x11: {  	[smem:$0x3FB7] =	sst s9;
	s0 =	simm.s32 @!p0 $0x0  }
0x12: {  	s1 =	sld [smem:$0x3F9D];
	s0 =	simm.s32 @p0 $0x1  }
0x13: {  	[smem:$0x3FB8] =	sst s0;
	s0 =	simm.s32 @!p1 $0x0  }
0x14: {  	s2 =	sld [smem:$0x3F9C];
	s0 =	simm.s32 @p1 $0x1  }
0x15: {  	[smem:$0x3FB9] =	sst s0;
	s0 =	simm.s32 @!p2 $0x0  }
0x16: {  	s3 =	sld [smem:$0x3FDB];
	s0 =	simm.s32 @p2 $0x1  }
0x17: {  	s4 =	simm.s32 $0x1BF5;
	[smem:$0x3FBB] =	sst s0  }
0x18: {  	s0 =	sld [smem:$0x3F9E];
	_ =	swait.ge [sflag:s4], $0x0  }
0x19: {  	s7 =	sld [smem:$0x3F9F]  }
0x1a: {  	s8 =	sadd.s32 $0xFFFFE003, lr  }
0x1b: {  	s9 =	sadd.s32 $0xFFFFFEF7, lr;
	s5 =	simm.s32 $0xFFFFFFFF;
	p2 =	slt.u32 s8, $0xFFFFF086  }
0x1c: {  	p1 =	slt.u32 s9, $0xF7A;
	s5 =	simm.s32 @!p2 $0x0  }
0x1d: {  	s5 =	simm.s32 @p1 $0x1;
	p0 =	seq.s32 s7, s2  }
0x1e: {  	s7 =	smul.u32 @!p0 $0xF7A, s2;
	p2 =	seq.s32 @!p0 s5, $0x0  }
0x1f: {  	s9 =	smul.u32 $0xF7A, s1;
	s8 =	simm.s32 @!p0 $0x1BF5;
	p2 =	por !p2, p0  }
0x20: {  	[sflag:s8] =	ssyncset.s32 @!p0 $0xFFFFF086;
	s6 =	sadd.s32 @!p0 s3, s7;
	s7 =	simm.s32 @!p0 $0x108  }
0x21: {  	s3 =	sadd.s32 s3, s9;
	s6 =	sadd.s32 @!p0 $0x88, s6;
	s7 =	simm.s32 @p2 $0x1082  }
0x22: {  	[simem:s7], [sflag:s8] =	dma.local @!p0 [hbm:s6], $0xF7A  }
0x23: {  	s9 =	sor.u32 $0xD0000000, s2;
	s6 =	simm.s32 $0x108;
	_ =	swait.ge @!p0 [sflag:s8], $0x0  }
0x24: {  	s3 =	sadd.s32 $0x88, s3;
	s6 =	simm.s32 @!p1 $0x1082;
	[sflag:s4] =	ssyncset.s32 $0xFFFFF086  }
0x25: {  	[simem:s6], [sflag:s4] =	dma.local [hbm:s3], $0xF7A  }
0x26: {  	[smem:$0x3F9F] =	sst s1;
	(tag) =	ssettag s2;
	_ =	strace s9  }
0x27: {  	s1 =	sld [smem:$0x3FAF]  }
0x28: {  	s2 =	sld [smem:$0x3FB0]  }
0x29: {  	s4 =	sld [smem:$0x3FB2]  }
0x2a: {  	p0 =	seq.s32 s5, $0x0;
	s5 =	sld [smem:$0x3FB3]  }
0x2b: {  	s6 =	sld [smem:$0x3FB4]  }
0x2c: {  	s7 =	sld [smem:$0x3FB5]  }
0x2d: {  	s3 =	simm.s32 $0x108;
	s8 =	sld [smem:$0x3FB6]  }
0x2e: {  	s3 =	simm.s32 @!p0 $0x1082;
	s9 =	sld [smem:$0x3FB7]  }
0x2f: {  	lr =	sadd.s32 s0, s3;
	s0 =	sld [smem:$0x3FAE]  }
0x30: {  	s3 =	sld [smem:$0x3FB1]  }
0x31: {  	[smem:$0x3FBA] =	sst s10  }
0x32: {  	s10 =	sld [smem:$0x3FB8];
	_ =	sdelay $0x3  }
0x33: {  	p0 =	seq.s32 s10, $0x1;
	s10 =	sld [smem:$0x3FBA];
	_ =	sdelay $0x3  }
0x34: {  	[smem:$0x3FBA] =	sst s10  }
0x35: {  	s10 =	sld [smem:$0x3FB9];
	_ =	sdelay $0x3  }
0x36: {  	p1 =	seq.s32 s10, $0x1;
	s10 =	sld [smem:$0x3FBA];
	_ =	sdelay $0x3  }
0x37: {  	[smem:$0x3FBA] =	sst s10  }
0x38: {  	s10 =	sld [smem:$0x3FBB]  }
0x39: {  	_ = 	snop;
	(pc) =	sbr.ind lr, $3  }
0x3a: {  	_ = 	snop  }
0x3b: {  	_ = 	snop  }
0x3c: {  	p2 =	seq.s32 s10, $0x1;
	s10 =	sld [smem:$0x3FBA]  }
0x3d: {  	_ =	shalt  }
0x3e: {  	_ =	shalt  }
0x3f: {  	_ =	shalt  }
0x40: {  	_ =	shalt  }
0x41: {  	_ =	shalt  }
0x42: {  	_ =	shalt  }
0x43: {  	_ =	shalt  }
0x44: {  	_ =	shalt  }
0x45: {  	_ =	shalt  }
0x46: {  	_ =	shalt  }
0x47: {  	_ =	shalt  }
0x48: {  	_ =	shalt  }
0x49: {  	_ =	shalt  }
0x4a: {  	_ =	shalt  }
0x4b: {  	_ =	shalt  }
0x4c: {  	_ =	shalt  }
0x4d: {  	_ =	shalt  }
0x4e: {  	_ =	shalt  }
0x4f: {  	_ =	shalt  }
0x50: {  	_ =	shalt  }
0x51: {  	_ =	shalt  }
0x52: {  	_ =	shalt  }
0x53: {  	_ =	shalt  }
0x54: {  	_ =	shalt  }
0x55: {  	_ =	shalt  }
0x56: {  	_ =	shalt  }
0x57: {  	_ =	shalt  }
0x58: {  	_ =	shalt  }
0x59: {  	_ =	shalt  }
0x5a: {  	_ =	shalt  }
0x5b: {  	_ =	shalt  }
0x5c: {  	_ =	shalt  }
0x5d: {  	_ =	shalt  }
0x5e: {  	_ =	shalt  }
0x5f: {  	_ =	shalt  }
0x60: {  	_ =	shalt  }
0x61: {  	_ =	shalt  }
0x62: {  	_ =	shalt  }
0x63: {  	_ =	shalt  }
0x64: {  	_ =	shalt  }
0x65: {  	_ =	shalt  }
0x66: {  	_ =	shalt  }
0x67: {  	_ =	shalt  }
0x68: {  	_ =	shalt  }
0x69: {  	_ =	shalt  }
0x6a: {  	_ =	shalt  }
0x6b: {  	_ =	shalt  }
0x6c: {  	_ =	shalt  }
0x6d: {  	_ =	shalt  }
0x6e: {  	_ =	shalt  }
0x6f: {  	_ =	shalt  }
0x70: {  	_ =	shalt  }
0x71: {  	_ =	shalt  }
0x72: {  	_ =	shalt  }
0x73: {  	_ =	shalt  }
0x74: {  	_ =	shalt  }
0x75: {  	_ =	shalt  }
0x76: {  	_ =	shalt  }
0x77: {  	_ =	shalt  }
0x78: {  	_ =	shalt  }
0x79: {  	_ =	shalt  }
0x7a: {  	_ =	shalt  }
0x7b: {  	_ =	shalt  }
0x7c: {  	_ =	shalt  }
0x7d: {  	_ =	shalt  }
0x7e: {  	_ =	shalt  }
0x7f: {  	_ =	shalt  }
0x80: {  	_ =	shalt  }
0x81: {  	_ =	shalt  }
0x82: {  	_ =	shalt  }
0x83: {  	_ =	shalt  }
0x84: {  	_ =	shalt  }
0x85: {  	_ =	shalt  }
0x86: {  	_ =	shalt  }
0x87: {  	_ =	shalt  }
.Lfunc_end0:
.L_simem_size_0:
called_computation_lowered:
.L_overlay_start_0:
0x88: {  	s2 =	sld [smem:$0x3FD9]  }
0x89: {  	s3 =	sld [smem:$0x3FFE];
	_ =	sdelay $0x1  }
0x8a: {  	s1 =	srdreg.scid  }
0x8b: {  	s0 =	sand.u32 $0x1, s1  }
0x8c: {  	s17 =	sshll.u32 s0, $0xA;
	s2 =	sadd.s32 s3, s2  }
0x8d: {  	s2 =	sadd.s32 s2, s17  }
0x8e: {  	[smem:$0x3FC6] =	sst s2  }
0x8f: {  	_ = 	snop  }
0x90: {  	s2 =	sld [smem:$0x3FC8]  }
0x91: {  	s18 =	sld [smem:$0x3FD0];
	(tm) =	ssettm $0x1  }
0x92: {  	s4 =	sld [smem:$0x3FFB];
	_ =	sdelay $0x3  }
0x93: {  	_ =	strace s4  }
0x94: {  	s4 =	sld [smem:$0x3FFC];
	_ =	sdelay $0x3  }
0x95: {  	_ =	strace s4  }
0x96: {  	s4 =	sld [smem:$0x3FFD];
	_ =	sdelay $0x3  }
0x97: {  	_ =	strace s4  }
0x98: {  	_ =	strace $0x8FFFFFFF  }
0x99: {  	s19 =	sld [smem:$0x3FDB];
	_ =	sdelay $0x1  }
0x9a: {  	s5 =	simm.s32 $_scs_section_size  }
0x9b: {  	s6 =	simm.s32 $_size__tile_overlayer_lowered;
	s7 =	simm.s32 $_tile_overlayer_lowered  }
0x9c: {  	s22 =	simm.s32 $0x1BFF;
	s21 =	sshll.u32 s7, $0x1;
	s4 =	sadd.s32 s5, s19  }
0x9d: {  	s8 =	simm.s32 $0x0;
	s20 =	sshll.u32 s6, $0x1;
	s6 =	sadd.s32 s21, s4  }
0x9e: {  	[timem:s8], [sflag:s22] =	dma.local [hbm:s6], s20  }
0x9f: {  	_ =	swait.ge [sflag:s22], s20  }
0xa0: {  	s5 =	ssub.s32 $0x0, s20;
	[sflag:s22] =	ssyncset.done $0x0  }
0xa1: {  	[sflag:s22] =	ssyncadd.s32 s5;
	_ =	sdelay $0x1  }
0xa2: {  	s23 =	simm.s32 $0x1B8B  }
0xa3: {  	_ =	swait.ge [sflag:s23], $0x1  }
0xa4: {  	[sflag:s23] =	ssyncset.done $0x0  }
0xa5: {  	s25 =	simm.s32 $0x1B8E;
	s24 =	sld [smem:$0x3FFE];
	[sflag:s23] =	ssyncadd.s32 $0xFFFFFFFF  }
0xa6: {  	s26 =	simm.s32 $execute0_lowered;
	[smem:$0x3FD2] =	sst s25  }
0xa7: {  	s6 =	sshll.u32 s26, $0x1;
	_ =	strace $0x80000046;
	[dreg:$0x1] =	wrdreg $0xFFFFFFFF  }
0xa8: {  	s28 =	simm.s32 $_size_execute0_lowered;
	s4 =	sadd.s32 s4, s6;
	[dreg:$0x0] =	wrdreg $0x0  }
0xa9: {  	s6 =	sshll.u32 s28, $0x1;
	[dreg:$0x2] =	wrdreg s4  }
0xaa: {  	[dreg:$0x3] =	wrdreg s6  }
0xab: {  	[dreg:$0x4] =	wrdreg $0xC0  }
0xac: {  	_ =	task [dreg:s8], $0x5FFFF  }
0xad: {  	[dreg:$0x1] =	wrdreg $0xFFFFFFFF  }
0xae: {  	[dreg:$0x0] =	wrdreg $0x60  }
0xaf: {  	[dreg:$0x2] =	wrdreg s24  }
0xb0: {  	[dreg:$0x3] =	wrdreg s2  }
0xb1: {  	[dreg:$0x4] =	wrdreg s18  }
0xb2: {  	[dreg:$0x5] =	wrdreg $0x164000  }
0xb3: {  	[dreg:$0x6] =	wrdreg $0x9  }
0xb4: {  	_ =	task.clear_ibuf [dreg:s8], $0x7FFFF;
	_ =	strace $0x90000046  }
0xb5: {  	s29 =	simm.s32 $0x9;
	_ =	strace $0x80000048  }
0xb6: {  	_ =	swait.ge [sflag:s29], $0x1  }
0xb7: {  	[sflag:s29] =	ssyncadd.s32 $0xFFFFFFFF  }
0xb8: {  	_ =	strace $0x90000048  }
0xb9: {  	_ =	sfence  }
0xba: {  	s30 =	sld [smem:$0x0];
	_ =	sdelay $0x2  }
0xbb: {  	s31 =	sshll.u32 s1, $0xD;
	s1 =	sshrl.u32 s1, $0x2  }
0xbc: {  	s3 =	sand.u32 $0x4000, s31;
	s1 =	sadd.s32 s1, s30  }
0xbd: {  	s0 =	sor.u32 s3, s0;
	s1 =	sshll.u32 s1, $0x11  }
0xbe: {  	s0 =	sor.u32 s1, s0  }
0xbf: {  	s0 =	sadd.s32 $0x8F2B, s0  }
0xc0: {  	[sflag:s0] =	ssyncadd.remote.s32 $0x1  }
0xc1: {  	_ =	sfence.sel $0xFFFF  }
0xc2: {  	[dreg:$0x0] =	wrdreg $0xFFFFFFFF;
	(pc) =	sbr.abs _section_cstart, $3  }
0xc3: {  	[dreg:$0x1] =	wrdreg $0xFFFFFFFF  }
0xc4: {  	_ =	task.clear_ibuf [dreg:s8], $0x2FFFF;
	_ =	strace $0x9FFFFFFF  }
0xc5: {  	(tm) =	ssettm $0x7FFFFFFF  }
tec
execute0_lowered:
.L_overlay_start_1:
0x0: {  	(tag) =	ssettag $0x1  }
0x1: {  	s0 =	rddreg [dreg:$0x0]  }
0x2: {  	s1 =	srdreg.scid;
	s10 =	rddreg [dreg:$0x2]  }
0x3: {  	s12 =	stileid.u32;
	s2 =	rddreg [dreg:$0x3];
	s14 =	simm.s32 $0x80  }
0x4: {  	s15 =	simm.s32 $0x6400;
	s16 =	simm.s32 $0xA400;
	s18 =	simm.s32 $0xE400  }
0x5: {  	s20 =	simm.s32 $0x12400;
	s21 =	simm.s32 $0x1;
	s22 =	simm.s32 $0x2  }
0x6: {  	s28 =	simm.s32 $0x7;
	s29 =	simm.s32 $0x8;
	s9 =	smul.u32 $0x640000, s12  }
0x7: {  	s30 =	simm.s32 $0x0;
	s1 =	sand.u32 $0x1, s1;
	s13 =	smul.u32 $0xC8000, s12  }
0x8: {  	s3 =	sshll.u32 s12, $0x1;
	p0 =	sne.s32 s12, $0x0;
	s11 =	smul.u32 $0x320000, s1  }
0x9: {  	s5 =	sor.u32 s1, s3;
	s6 =	ssub.s32 $0x2, s1;
	s1 =	smul.u32 $0x64000, s1  }
0xa: {  	s3 =	simm.s32 $0x0;
	s12 =	sshrl.u32 @!p0 s2, $0x3;
	s4 =	smul.u32 $0x6400, s5  }
0xb: {  	[smem:$0x7FF] =	sst s3;
	s23 =	sshrl.u32 s6, $0x1;
	s7 =	smul.u32 $0x320000, s5  }
0xc: {  	s24 =	smul.u32 $0x64000, s5;
	s31 =	sadd.s32 s13, s10;
	s13 =	simm.s32 $0x9  }
0xd: {  	_ =	strace $0x80000047;
	s6 =	ssub.s32 s6, s23;
	s11 =	sadd.s32 s11, s9  }
0xe: {  	s23 =	simm.s32 $0x3;
	s4 =	sshrl.u32 s4, $0x3;
	s5 =	smax.u32 s6, $0x1  }
0xf: {  	s25 =	sshrl.u32 s7, $0x3;
	s26 =	sshrl.u32 s11, $0x3;
	s11 =	sadd.s32 s1, s31  }
0x10: {  	s0 =	sadd.s32 s4, s0;
	s6 =	sadd.s32 s10, s25;
	s25 =	simm.s32 $0x5  }
0x11: {  	s4 =	sadd.s32 $0x400, s0;
	s0 =	sadd.s32 s10, s24;
	s6 =	sadd.s32 $0x62000, s6  }
0x12: {  	s10 =	sadd.s32 s26, s10;
	s24 =	simm.s32 $0x4;
	s26 =	simm.s32 $0x6  }
0x13: {  	s7 =	sadd.s32 $0x62800, s0;
	s8 =	sadd.s32 $0x63000, s0;
	s9 =	sadd.s32 $0x63800, s0  }
.LBB2_1:
0x14: {  	s0 =	simm.s32 @!p0 $0x1C09;
	s1 =	rddreg [dreg:$0x1]  }
0x15: {  	[spmem:s12], [sflag:s0] =	dma.local @!p0 [hbm:s1], $0x2000  }
0x16: {  	s0 =	simm.s32 @!p0 $0x9  }
0x17: {  	_ =	swait.ge @!p0 [sflag:s0], $0x2000  }
0x18: {  	[sflag:s0] =	ssyncset.done @!p0 $0x0  }
0x19: {  	[sflag:s0] =	ssyncadd.s32 @!p0 $0xFFFFE000  }
0x1a: {  	[tilespmem:s3], [sflag:$0x9] =	stream.linear.gather [hbm4b:s4+s3], $0x6400, $0x38;
	[tilespmem:$0x17400] =	vst v63  }
0x1b: {  	_ =	swait.ge [sflag:s13], $0x6400  }
0x1c: {  	[sflag:s13] =	ssyncset.done $0x0  }
0x1d: {  	[sflag:s13] =	ssyncadd.s32 $0xFFFF9C00  }
0x1e: {  	[bflag:$0x0] =	sbarrier.arrive $0xFFFF  }
0x1f: {  	[tilespmem:s15], [sflag:$0x1] =	stream.indirect.gather [spmem:s2], $0x80, s3, s14, $0xb8;
	[tilespmem:$0x17400] =	vst v63  }
0x20: {  	_ = 	snop  }
0x21: {  	[tilespmem:s16], [sflag:$0x2] =	stream.indirect.gather [spmem:s2], $0x80, s14, s14, $0xb8;
	[tilespmem:$0x17400] =	vst v63  }
0x22: {  	s17 =	simm.s32 $0x100  }
0x23: {  	[tilespmem:s18], [sflag:$0x3] =	stream.indirect.gather [spmem:s2], $0x80, s17, s14, $0xb8;
	[tilespmem:$0x17400] =	vst v63  }
0x24: {  	s19 =	simm.s32 $0x180  }
0x25: {  	[tilespmem:s20], [sflag:$0x4] =	stream.indirect.gather [spmem:s2], $0x80, s19, s14, $0xb8;
	[tilespmem:$0x17400] =	vst v63  }
0x26: {  	_ =	swait.ge [sflag:s21], $0x4000  }
0x27: {  	[sflag:s21] =	ssyncset.done $0x0  }
0x28: {  	s1 =	sadd.s32 $0x0, s10;
	[sflag:s21] =	ssyncadd.s32 $0xFFFFC000  }
0x29: {  	[hbm4b:s1+s3] =	stream.linear.scatter [tilespmem:s15], [sflag:$0x5], $0x4000, $0x38;
	[tilespmem:$0x17400] =	vst v63  }
0x2a: {  	_ =	swait.ge [sflag:s22], $0x4000  }
0x2b: {  	s0 =	sadd.s32 $0x0, s11;
	[sflag:s22] =	ssyncset.done $0x0  }
0x2c: {  	s17 =	sadd.s32 $0x800, s0;
	[sflag:s22] =	ssyncadd.s32 $0xFFFFC000  }
0x2d: {  	[hbm4b:s17+s3] =	stream.linear.scatter [tilespmem:s16], [sflag:$0x6], $0x4000, $0x38;
	[tilespmem:$0x17400] =	vst v63  }
0x2e: {  	_ =	swait.ge [sflag:s23], $0x4000  }
0x2f: {  	[sflag:s23] =	ssyncset.done $0x0  }
0x30: {  	s19 =	sadd.s32 $0x1000, s0;
	[sflag:s23] =	ssyncadd.s32 $0xFFFFC000  }
0x31: {  	[hbm4b:s19+s3] =	stream.linear.scatter [tilespmem:s18], [sflag:$0x7], $0x4000, $0x38;
	[tilespmem:$0x17400] =	vst v63  }
0x32: {  	_ =	swait.ge [sflag:s24], $0x4000  }
0x33: {  	[sflag:s24] =	ssyncset.done $0x0  }
0x34: {  	s0 =	sadd.s32 $0x1800, s0;
	[sflag:s24] =	ssyncadd.s32 $0xFFFFC000  }
0x35: {  	[hbm4b:s0+s3] =	stream.linear.scatter [tilespmem:s20], [sflag:$0x8], $0x4000, $0x38;
	[tilespmem:$0x17400] =	vst v63  }
0x36: {  	_ =	swait.ge [sflag:s25], $0x4000  }
0x37: {  	[sflag:s25] =	ssyncset.done $0x0  }
0x38: {  	s1 =	simm.s32 $0x200;
	[sflag:s25] =	ssyncadd.s32 $0xFFFFC000  }
0x39: {  	[tilespmem:s15], [sflag:$0x1] =	stream.indirect.gather [spmem:s2], $0x80, s1, s14, $0xb8;
	[tilespmem:$0x17400] =	vst v63  }
0x3a: {  	_ =	swait.ge [sflag:s26], $0x4000  }
0x3b: {  	[sflag:s26] =	ssyncset.done $0x0  }
0x3c: {  	s17 =	simm.s32 $0x280;
	[sflag:s26] =	ssyncadd.s32 $0xFFFFC000  }
0x3d: {  	[tilespmem:s16], [sflag:$0x2] =	stream.indirect.gather [spmem:s2], $0x80, s17, s14, $0xb8;
	[tilespmem:$0x17400] =	vst v63  }
0x3e: {  	_ =	swait.ge [sflag:s28], $0x4000  }
0x3f: {  	[sflag:s28] =	ssyncset.done $0x0  }
0x40: {  	s19 =	simm.s32 $0x300;
	[sflag:s28] =	ssyncadd.s32 $0xFFFFC000  }
0x41: {  	[tilespmem:s18], [sflag:$0x3] =	stream.indirect.gather [spmem:s2], $0x80, s19, s14, $0xb8;
	[tilespmem:$0x17400] =	vst v63  }
0x42: {  	_ =	swait.ge [sflag:s29], $0x4000  }
0x43: {  	s31 =	simm.s32 $0x380;
	[sflag:s29] =	ssyncset.done $0x0  }
0x44: {  	s0 =	simm.s32 $0x580;
	s1 =	simm.s32 $0x2000;
	[sflag:s29] =	ssyncadd.s32 $0xFFFFC000  }
.LBB2_2:
0x45: {  	[tilespmem:s20], [sflag:$0x4] =	stream.indirect.gather [spmem:s2], $0x80, s31, s14, $0xb8;
	[tilespmem:$0x17400] =	vst v63  }
0x46: {  	s17 =	smov.u32 s1;
	s31 =	smov.u32 s0  }
0x47: {  	p1 =	sne.s32 s1, $0x60000;
	s1 =	sadd.s32 $0x2000, s1;
	_ =	swait.ge [sflag:s21], $0x4000  }
0x48: {  	[sflag:s21] =	ssyncset.done $0x0  }
0x49: {  	s19 =	sadd.s32 s17, s10;
	[sflag:s21] =	ssyncadd.s32 $0xFFFFC000  }
0x4a: {  	[hbm4b:s19+s3] =	stream.linear.scatter [tilespmem:s15], [sflag:$0x5], $0x4000, $0x38;
	[tilespmem:$0x17400] =	vst v63  }
0x4b: {  	_ =	swait.ge [sflag:s22], $0x4000  }
0x4c: {  	s17 =	sadd.s32 s17, s11;
	[sflag:s22] =	ssyncset.done $0x0  }
0x4d: {  	s19 =	sadd.s32 $0x800, s17;
	[sflag:s22] =	ssyncadd.s32 $0xFFFFC000  }
0x4e: {  	[hbm4b:s19+s3] =	stream.linear.scatter [tilespmem:s16], [sflag:$0x6], $0x4000, $0x38;
	[tilespmem:$0x17400] =	vst v63  }
0x4f: {  	_ =	swait.ge [sflag:s23], $0x4000  }
0x50: {  	[sflag:s23] =	ssyncset.done $0x0  }
0x51: {  	s19 =	sadd.s32 $0x1000, s17;
	[sflag:s23] =	ssyncadd.s32 $0xFFFFC000  }
0x52: {  	[hbm4b:s19+s3] =	stream.linear.scatter [tilespmem:s18], [sflag:$0x7], $0x4000, $0x38;
	[tilespmem:$0x17400] =	vst v63  }
0x53: {  	_ =	swait.ge [sflag:s24], $0x4000  }
0x54: {  	[sflag:s24] =	ssyncset.done $0x0  }
0x55: {  	s17 =	sadd.s32 $0x1800, s17;
	[sflag:s24] =	ssyncadd.s32 $0xFFFFC000  }
0x56: {  	[hbm4b:s17+s3] =	stream.linear.scatter [tilespmem:s20], [sflag:$0x8], $0x4000, $0x38;
	[tilespmem:$0x17400] =	vst v63  }
0x57: {  	_ =	swait.ge [sflag:s25], $0x4000  }
0x58: {  	[sflag:s25] =	ssyncset.done $0x0  }
0x59: {  	s17 =	sadd.s32 $0xFFFFFE80, s0;
	[sflag:s25] =	ssyncadd.s32 $0xFFFFC000  }
0x5a: {  	[tilespmem:s15], [sflag:$0x1] =	stream.indirect.gather [spmem:s2], $0x80, s17, s14, $0xb8;
	[tilespmem:$0x17400] =	vst v63  }
0x5b: {  	_ =	swait.ge [sflag:s26], $0x4000  }
0x5c: {  	[sflag:s26] =	ssyncset.done $0x0  }
0x5d: {  	s17 =	sadd.s32 $0xFFFFFF00, s0;
	[sflag:s26] =	ssyncadd.s32 $0xFFFFC000  }
0x5e: {  	[tilespmem:s16], [sflag:$0x2] =	stream.indirect.gather [spmem:s2], $0x80, s17, s14, $0xb8;
	[tilespmem:$0x17400] =	vst v63  }
0x5f: {  	_ =	swait.ge [sflag:s28], $0x4000  }
0x60: {  	[sflag:s28] =	ssyncset.done $0x0  }
.Ltmp0:
0x61: {  	s17 =	sadd.s32 $0xFFFFFF80, s0;
	[sflag:s28] =	ssyncadd.s32 $0xFFFFC000;
	(pc) =	sbr.rel @p1 .LBB2_2-.Ltmp0, $4  }
0x62: {  	[tilespmem:s18], [sflag:$0x3] =	stream.indirect.gather [spmem:s2], $0x80, s17, s14, $0xb8;
	[tilespmem:$0x17400] =	vst v63  }
0x63: {  	_ =	swait.ge [sflag:s29], $0x4000  }
0x64: {  	[sflag:s29] =	ssyncset.done $0x0  }
0x65: {  	s0 =	sadd.s32 $0x200, s0;
	[sflag:s29] =	ssyncadd.s32 $0xFFFFC000  }
0x66: {  	[tilespmem:s20], [sflag:$0x4] =	stream.indirect.gather [spmem:s2], $0x80, s31, s14, $0xb8;
	[tilespmem:$0x17400] =	vst v63  }
0x67: {  	_ =	swait.ge [sflag:s21], $0x4000  }
0x68: {  	[sflag:s21] =	ssyncset.done $0x0  }
0x69: {  	[sflag:s21] =	ssyncadd.s32 $0xFFFFC000  }
0x6a: {  	[hbm4b:s6+s3] =	stream.linear.scatter [tilespmem:s15], [sflag:$0x5], $0x4000, $0x38;
	[tilespmem:$0x17400] =	vst v63  }
0x6b: {  	_ =	swait.ge [sflag:s22], $0x4000  }
0x6c: {  	[sflag:s22] =	ssyncset.done $0x0  }
0x6d: {  	[sflag:s22] =	ssyncadd.s32 $0xFFFFC000  }
0x6e: {  	[hbm4b:s7+s3] =	stream.linear.scatter [tilespmem:s16], [sflag:$0x6], $0x4000, $0x38;
	[tilespmem:$0x17400] =	vst v63  }
0x6f: {  	_ =	swait.ge [sflag:s23], $0x4000  }
0x70: {  	[sflag:s23] =	ssyncset.done $0x0  }
0x71: {  	[sflag:s23] =	ssyncadd.s32 $0xFFFFC000  }
0x72: {  	[hbm4b:s8+s3] =	stream.linear.scatter [tilespmem:s18], [sflag:$0x7], $0x4000, $0x38;
	[tilespmem:$0x17400] =	vst v63  }
0x73: {  	_ =	swait.ge [sflag:s24], $0x4000  }
0x74: {  	[sflag:s24] =	ssyncset.done $0x0  }
0x75: {  	[sflag:s24] =	ssyncadd.s32 $0xFFFFC000  }
0x76: {  	[hbm4b:s9+s3] =	stream.linear.scatter [tilespmem:s20], [sflag:$0x8], $0x4000, $0x38;
	[tilespmem:$0x17400] =	vst v63  }
0x77: {  	_ =	swait.ge [sflag:s25], $0x4000  }
0x78: {  	[sflag:s25] =	ssyncset.done $0x0  }
0x79: {  	[sflag:s25] =	ssyncadd.s32 $0xFFFFC000  }
0x7a: {  	_ =	swait.ge [sflag:s26], $0x4000  }
0x7b: {  	[sflag:s26] =	ssyncset.done $0x0  }
0x7c: {  	s30 =	sadd.s32 $0x1, s30;
	[sflag:s26] =	ssyncadd.s32 $0xFFFFC000  }
0x7d: {  	p1 =	sne.s32 s30, s5;
	_ =	swait.ge [sflag:s28], $0x4000  }
.Ltmp1:
0x7e: {  	[sflag:s28] =	ssyncset.done $0x0;
	(pc) =	sbr.rel @p1 .LBB2_1-.Ltmp1, $4  }
0x7f: {  	[sflag:s28] =	ssyncadd.s32 $0xFFFFC000  }
0x80: {  	_ =	swait.ge [sflag:s29], $0x4000  }
0x81: {  	[sflag:s29] =	ssyncset.done $0x0  }
0x82: {  	[sflag:s29] =	ssyncadd.s32 $0xFFFFC000  }
0x83: {  	_ =	sfence.sel $0x180000  }
0x84: {  	[bflag:$0x0] =	sbarrier.arrive $0xFFFF  }
0x85: {  	_ =	strace $0x90000047  }
0x86: {  	[bflag:$0x2] =	sbarrier.arrive $0xFFFF  }
0x87: {  	s0 =	rddreg [dreg:$0x4]  }
0x88: {  	s0 =	sadd.s32 @!p0 $0x100000, s0  }
0x89: {  	[sflag:s0] =	ssyncadd.tile.s32 @!p0 $0x1;
	_ =	shalt  }
.Lfunc_end2:
_tile_overlayer_lowered:
.L_overlay_start_2:
0x8a: {  	(tag) =	ssettag $0x2  }
0x8b: {  	s0 =	rddreg [dreg:$0x0];
	s2 =	stileid.u32  }
0x8c: {  	s1 =	rddreg [dreg:$0x1];
	p0 =	sne.s32 s2, $0x0  }
0x8d: {  	s3 =	rddreg [dreg:$0x2];
	[bflag:$0x3] =	sbarrier.arrive $0xFFFF;
	s2 =	simm.s32 @!p0 $0x1C09  }
0x8e: {  	[timem:s3], [sflag:s2] =	dma.local @!p0 [hbm:s0], s1  }
0x8f: {  	s0 =	simm.s32 @!p0 $0x9  }
0x90: {  	_ =	swait.ge @!p0 [sflag:s0], s1  }
0x91: {  	s1 =	ssub.s32 @!p0 $0x0, s1;
	[sflag:s0] =	ssyncset.done @!p0 $0x0  }
0x92: {  	[sflag:s0] =	ssyncadd.s32 @!p0 s1  }
0x93: {  	[bflag:$0x3] =	sbarrier.arrive $0xFFFF  }
0x94: {  	_ =	shalt  }

</sc_bundles>
